<compile_context>
chip_gen: v7x
topology: tpu7x:2x2x1
jax: 0.10.2.dev20260603
libtpu: 0.0.44.dev20260713+nightly
codegen_flags: <defaults>
</compile_context>

<pallas_src>
import functools

import jax
import jax.numpy as jnp
from jax import lax
from jax.experimental import pallas as pl
from jax.experimental.pallas import tpu as pltpu
from jax.experimental.pallas import tpu_sc as plsc

_NC = 2
_NS = 16
_NW = _NC * _NS
_L = 16
_MAP = 64


def _build(n):
    per_w = n // _NW
    mesh = plsc.VectorSubcoreMesh(
        core_axis_name="c", subcore_axis_name="s",
        num_cores=_NC, num_subcores=_NS)

    @functools.partial(
        pl.kernel,
        out_type=(jax.ShapeDtypeStruct((n,), jnp.int32),
                  jax.ShapeDtypeStruct((n,), jnp.int32)),
        mesh=mesh,
        compiler_params=pltpu.CompilerParams(
            needs_layout_passes=False,
            use_tc_tiling_on_sc=False,
            disable_bounds_checks=True,
            disable_semaphore_checks=True,
            skip_device_barrier=True),
        scratch_types=[
            pltpu.VMEM((per_w,), jnp.int32),
            pltpu.VMEM((per_w,), jnp.int32),
            pltpu.VMEM((per_w,), jnp.int32),
            pltpu.VMEM((128,), jnp.int32),
            pltpu.VMEM((128,), jnp.int32),
            pltpu.VMEM((128,), jnp.int32),
            pltpu.SemaphoreType.DMA,
            pltpu.SemaphoreType.DMA,
        ],
    )
    def dispatch(idx_hbm, devmap_hbm, locmap_hbm, dev_hbm, loc_hbm,
                 idx_v, dev_v, loc_v, devmap_v, locmap_v, packed_v,
                 sem_in, sem_out):
        wid = lax.axis_index("s") * _NC + lax.axis_index("c")
        base = wid * per_w
        cp_idx = pltpu.async_copy(
            idx_hbm.at[pl.ds(base, per_w)], idx_v, sem_in)
        cp_dm = pltpu.async_copy(devmap_hbm, devmap_v.at[pl.ds(0, _MAP)],
                                 sem_out)
        cp_lm = pltpu.async_copy(locmap_hbm, locmap_v.at[pl.ds(0, _MAP)],
                                 sem_out)
        cp_dm.wait()
        cp_lm.wait()

        for j in range(_MAP // _L):
            sl = pl.ds(j * _L, _L)
            packed_v[sl] = (devmap_v[sl] << 16) | (locmap_v[sl] & 0xFFFF)
        cp_idx.wait()

        n_chunks = 2
        chunk = per_w // n_chunks
        out_cps = []
        for c in range(n_chunks):
            lo = c * chunk

            @plsc.parallel_loop(lo, lo + chunk, _L, unroll=8)
            def _(off):
                sl = pl.ds(off, _L)
                g = plsc.load_gather(packed_v, [idx_v[sl]])
                dev_v[sl] = g >> 16
                loc_v[sl] = (g << 16) >> 16

            out_cps.append(pltpu.async_copy(
                dev_v.at[pl.ds(lo, chunk)],
                dev_hbm.at[pl.ds(base + lo, chunk)], sem_out))
            out_cps.append(pltpu.async_copy(
                loc_v.at[pl.ds(lo, chunk)],
                loc_hbm.at[pl.ds(base + lo, chunk)], sem_out))
        for cp in out_cps:
            cp.wait()

    return dispatch


def kernel(indices_expert, weight1, weight2, device_indices_map,
           local_expert_indices_map):
    t, k = indices_expert.shape
    n = t * k
    x = indices_expert.astype(jnp.int32)
    phys = t % 128 == 0
    tt = t // 128
    if phys:
        flat = x.reshape(tt, 128, k).transpose(0, 2, 1).reshape(n)
    else:
        flat = x.reshape(n)
    dev, loc = _build(n)(flat,
                         device_indices_map.astype(jnp.int32),
                         local_expert_indices_map.astype(jnp.int32))
    def unflat(a):
        if phys:
            return a.reshape(tt, k, 128).transpose(0, 2, 1).reshape(t, k)
        return a.reshape(t, k)
    out_dtype = indices_expert.dtype
    return unflat(dev).astype(out_dtype), unflat(loc).astype(out_dtype)

# --- scband reference (transcript-rebuilt; emitter-appended) ---
"""Pipeline reference for scband-dispatcher-base-22290880266874 (READ-ONLY COPY).

The authoritative reference and input builder live on the scoring server;
editing this copy changes nothing except your own understanding.
"""

import jax, jax.numpy as jnp
import numpy as np

ROUTED_EXPERT_NUM = 64
EP_SIZE = 8
EP_RANK = 0


def setup_inputs(seed: int = 0) -> dict:
    key = jax.random.key(seed)
    k1, k2, k3 = jax.random.split(key, 3)
    indices_expert = jax.random.randint(k1, (32768, 8), 0, ROUTED_EXPERT_NUM, dtype=jnp.int64 if jax.config.jax_enable_x64 else jnp.int32)
    # expert FFN weights held by the dispatcher (unbound per-expert in torch; unused in index mapping)
    weight1 = jax.random.normal(k2, (ROUTED_EXPERT_NUM, 256, 512), dtype=jnp.float32) * 0.02
    weight2 = jax.random.normal(k3, (ROUTED_EXPERT_NUM, 512, 256), dtype=jnp.float32) * 0.02
    # init_expert_map()
    device_indices_map = (jnp.arange(ROUTED_EXPERT_NUM, dtype=jnp.int32) // (ROUTED_EXPERT_NUM // EP_SIZE)).astype(jnp.int32)
    local_expert_indices_map = (jnp.arange(ROUTED_EXPERT_NUM, dtype=jnp.int32) - (ROUTED_EXPERT_NUM // EP_SIZE) * EP_RANK).astype(jnp.int32)
    return {
        "indices_expert": indices_expert,
        "weight1": weight1,
        "weight2": weight2,
        "device_indices_map": device_indices_map,
        "local_expert_indices_map": local_expert_indices_map,
    }


def reference(indices_expert, weight1, weight2, device_indices_map, local_expert_indices_map):
    # get_device_indices: gather routed device id per (token, top_k) expert index
    device_indices = jnp.take(device_indices_map, indices_expert, axis=0)
    # get_local_expert_indices: gather local expert id per (token, top_k) expert index
    local_expert_indices = jnp.take(local_expert_indices_map, indices_expert, axis=0)
    return device_indices, local_expert_indices

if __name__ == "__main__":
    import jax
    _d = setup_inputs()
    print(jax.jit(kernel)(*tuple(_d.values())))

</pallas_src>

<mosaic_0001>
#map = affine_map<(d0, d1) -> (0)>
module attributes {stable_mosaic.version = 14 : i64} {
  func.func @dispatch(%arg0: i32, %arg1: i32, %arg2: memref<262144xi32, #tpu.memory_space<hbm>>, %arg3: memref<64xi32, #tpu.memory_space<hbm>>, %arg4: memref<64xi32, #tpu.memory_space<hbm>>, %arg5: memref<262144xi32, #tpu.memory_space<hbm>>, %arg6: memref<262144xi32, #tpu.memory_space<hbm>>, %arg7: memref<8192xi32, #tpu.memory_space<vmem>>, %arg8: memref<8192xi32, #tpu.memory_space<vmem>>, %arg9: memref<8192xi32, #tpu.memory_space<vmem>>, %arg10: memref<128xi32, #tpu.memory_space<vmem>>, %arg11: memref<128xi32, #tpu.memory_space<vmem>>, %arg12: memref<128xi32, #tpu.memory_space<vmem>>, %arg13: memref<!tpu.dma_semaphore, #tpu.memory_space<semaphore_mem>>, %arg14: memref<!tpu.dma_semaphore, #tpu.memory_space<semaphore_mem>>) attributes {dimension_semantics = [#tpu.dimension_semantics<core_parallel>, #tpu.dimension_semantics<subcore_parallel>], iteration_bounds = array<i64: 2, 16>, scalar_prefetch = 0 : i64, scratch_operands = 8 : i64, tpu.core_type = #tpu.core_type<sc_vector_subcore>, window_params = [{transform_indices = #map}, {transform_indices = #map}, {transform_indices = #map}, {transform_indices = #map}, {transform_indices = #map}]} {
    %mul3A = arith.constant 2 : i32
    %mul3A_0 = arith.muli %arg1, %mul3A : i32
    %add3A = arith.addi %mul3A_0, %arg0 : i32
    %mul3A_1 = arith.constant 8192 : i32
    %mul3A_2 = arith.muli %add3A, %mul3A_1 : i32
    %dma_start3A = tpu.memref_slice %arg2[%mul3A_2] : memref<262144xi32, #tpu.memory_space<hbm>> -> memref<8192xi32, #tpu.memory_space<hbm>>
    %dma_start3A_3 = tpu.memref_slice %arg2[%mul3A_2] : memref<262144xi32, #tpu.memory_space<hbm>> -> memref<8192xi32, #tpu.memory_space<hbm>>
    tpu.enqueue_dma source(%dma_start3A_3 : memref<8192xi32, #tpu.memory_space<hbm>>) target(%arg7 : memref<8192xi32, #tpu.memory_space<vmem>>) target_semaphore(%arg13 : memref<!tpu.dma_semaphore, #tpu.memory_space<semaphore_mem>>)
    %dma_start3A_4 = arith.constant 0 : i32
    %dma_start3A_5 = tpu.memref_slice %arg10[%dma_start3A_4] : memref<128xi32, #tpu.memory_space<vmem>> -> memref<64xi32, #tpu.memory_space<vmem>>
    %dma_start3A_6 = arith.constant 0 : i32
    %dma_start3A_7 = tpu.memref_slice %arg10[%dma_start3A_6] : memref<128xi32, #tpu.memory_space<vmem>> -> memref<64xi32, #tpu.memory_space<vmem>>
    tpu.enqueue_dma source(%arg3 : memref<64xi32, #tpu.memory_space<hbm>>) target(%dma_start3A_7 : memref<64xi32, #tpu.memory_space<vmem>>) target_semaphore(%arg14 : memref<!tpu.dma_semaphore, #tpu.memory_space<semaphore_mem>>)
    %dma_start3A_8 = arith.constant 0 : i32
    %dma_start3A_9 = tpu.memref_slice %arg11[%dma_start3A_8] : memref<128xi32, #tpu.memory_space<vmem>> -> memref<64xi32, #tpu.memory_space<vmem>>
    %dma_start3A_10 = arith.constant 0 : i32
    %dma_start3A_11 = tpu.memref_slice %arg11[%dma_start3A_10] : memref<128xi32, #tpu.memory_space<vmem>> -> memref<64xi32, #tpu.memory_space<vmem>>
    tpu.enqueue_dma source(%arg4 : memref<64xi32, #tpu.memory_space<hbm>>) target(%dma_start3A_11 : memref<64xi32, #tpu.memory_space<vmem>>) target_semaphore(%arg14 : memref<!tpu.dma_semaphore, #tpu.memory_space<semaphore_mem>>)
    %dma_wait3A = arith.constant 0 : i32
    %dma_wait3A_12 = tpu.memref_slice %arg10[%dma_wait3A] : memref<128xi32, #tpu.memory_space<vmem>> -> memref<64xi32, #tpu.memory_space<vmem>>
    %dma_wait3A_13 = arith.constant 0 : i32
    %dma_wait3A_14 = tpu.memref_slice %arg10[%dma_wait3A_13] : memref<128xi32, #tpu.memory_space<vmem>> -> memref<64xi32, #tpu.memory_space<vmem>>
    tpu.wait_dma2 semaphore(%arg14 : memref<!tpu.dma_semaphore, #tpu.memory_space<semaphore_mem>>) src(%arg3 : memref<64xi32, #tpu.memory_space<hbm>>) dst(%dma_wait3A_14 : memref<64xi32, #tpu.memory_space<vmem>>)
    %dma_wait3A_15 = arith.constant 0 : i32
    %dma_wait3A_16 = tpu.memref_slice %arg11[%dma_wait3A_15] : memref<128xi32, #tpu.memory_space<vmem>> -> memref<64xi32, #tpu.memory_space<vmem>>
    %dma_wait3A_17 = arith.constant 0 : i32
    %dma_wait3A_18 = tpu.memref_slice %arg11[%dma_wait3A_17] : memref<128xi32, #tpu.memory_space<vmem>> -> memref<64xi32, #tpu.memory_space<vmem>>
    tpu.wait_dma2 semaphore(%arg14 : memref<!tpu.dma_semaphore, #tpu.memory_space<semaphore_mem>>) src(%arg4 : memref<64xi32, #tpu.memory_space<hbm>>) dst(%dma_wait3A_18 : memref<64xi32, #tpu.memory_space<vmem>>)
    %get3A = arith.constant 0 : index
    %get3A_19 = tpu.vector_load %arg10[%get3A] {strides = array<i32>} : memref<128xi32, #tpu.memory_space<vmem>>, vector<16xi32>,
    %shift_left3A = arith.constant 16 : i32
    %shift_left3A_20 = vector.broadcast %shift_left3A : i32 to vector<16xi32>
    %shift_left3A_21 = arith.shli %get3A_19, %shift_left3A_20 : vector<16xi32>
    %get3A_22 = arith.constant 0 : index
    %get3A_23 = tpu.vector_load %arg11[%get3A_22] {strides = array<i32>} : memref<128xi32, #tpu.memory_space<vmem>>, vector<16xi32>,
    %and3A = arith.constant 65535 : i32
    %and3A_24 = vector.broadcast %and3A : i32 to vector<16xi32>
    %and3A_25 = arith.andi %get3A_23, %and3A_24 : vector<16xi32>
    %or3A = arith.ori %shift_left3A_21, %and3A_25 : vector<16xi32>
    %swap3A = arith.constant 0 : index
    %swap3A_26 = tpu.vector_load %arg12[%swap3A] {strides = array<i32>} : memref<128xi32, #tpu.memory_space<vmem>>, vector<16xi32>,
    tpu.vector_store %arg12[%swap3A], %or3A {strides = array<i32>} : memref<128xi32, #tpu.memory_space<vmem>>, vector<16xi32>,
    %get3A_27 = arith.constant 16 : index
    %get3A_28 = tpu.vector_load %arg10[%get3A_27] {strides = array<i32>} : memref<128xi32, #tpu.memory_space<vmem>>, vector<16xi32>,
    %shift_left3A_29 = arith.constant 16 : i32
    %shift_left3A_30 = vector.broadcast %shift_left3A_29 : i32 to vector<16xi32>
    %shift_left3A_31 = arith.shli %get3A_28, %shift_left3A_30 : vector<16xi32>
    %get3A_32 = arith.constant 16 : index
    %get3A_33 = tpu.vector_load %arg11[%get3A_32] {strides = array<i32>} : memref<128xi32, #tpu.memory_space<vmem>>, vector<16xi32>,
    %and3A_34 = arith.constant 65535 : i32
    %and3A_35 = vector.broadcast %and3A_34 : i32 to vector<16xi32>
    %and3A_36 = arith.andi %get3A_33, %and3A_35 : vector<16xi32>
    %or3A_37 = arith.ori %shift_left3A_31, %and3A_36 : vector<16xi32>
    %swap3A_38 = arith.constant 16 : index
    %swap3A_39 = tpu.vector_load %arg12[%swap3A_38] {strides = array<i32>} : memref<128xi32, #tpu.memory_space<vmem>>, vector<16xi32>,
    tpu.vector_store %arg12[%swap3A_38], %or3A_37 {strides = array<i32>} : memref<128xi32, #tpu.memory_space<vmem>>, vector<16xi32>,
    %get3A_40 = arith.constant 32 : index
    %get3A_41 = tpu.vector_load %arg10[%get3A_40] {strides = array<i32>} : memref<128xi32, #tpu.memory_space<vmem>>, vector<16xi32>,
    %shift_left3A_42 = arith.constant 16 : i32
    %shift_left3A_43 = vector.broadcast %shift_left3A_42 : i32 to vector<16xi32>
    %shift_left3A_44 = arith.shli %get3A_41, %shift_left3A_43 : vector<16xi32>
    %get3A_45 = arith.constant 32 : index
    %get3A_46 = tpu.vector_load %arg11[%get3A_45] {strides = array<i32>} : memref<128xi32, #tpu.memory_space<vmem>>, vector<16xi32>,
    %and3A_47 = arith.constant 65535 : i32
    %and3A_48 = vector.broadcast %and3A_47 : i32 to vector<16xi32>
    %and3A_49 = arith.andi %get3A_46, %and3A_48 : vector<16xi32>
    %or3A_50 = arith.ori %shift_left3A_44, %and3A_49 : vector<16xi32>
    %swap3A_51 = arith.constant 32 : index
    %swap3A_52 = tpu.vector_load %arg12[%swap3A_51] {strides = array<i32>} : memref<128xi32, #tpu.memory_space<vmem>>, vector<16xi32>,
    tpu.vector_store %arg12[%swap3A_51], %or3A_50 {strides = array<i32>} : memref<128xi32, #tpu.memory_space<vmem>>, vector<16xi32>,
    %get3A_53 = arith.constant 48 : index
    %get3A_54 = tpu.vector_load %arg10[%get3A_53] {strides = array<i32>} : memref<128xi32, #tpu.memory_space<vmem>>, vector<16xi32>,
    %shift_left3A_55 = arith.constant 16 : i32
    %shift_left3A_56 = vector.broadcast %shift_left3A_55 : i32 to vector<16xi32>
    %shift_left3A_57 = arith.shli %get3A_54, %shift_left3A_56 : vector<16xi32>
    %get3A_58 = arith.constant 48 : index
    %get3A_59 = tpu.vector_load %arg11[%get3A_58] {strides = array<i32>} : memref<128xi32, #tpu.memory_space<vmem>>, vector<16xi32>,
    %and3A_60 = arith.constant 65535 : i32
    %and3A_61 = vector.broadcast %and3A_60 : i32 to vector<16xi32>
    %and3A_62 = arith.andi %get3A_59, %and3A_61 : vector<16xi32>
    %or3A_63 = arith.ori %shift_left3A_57, %and3A_62 : vector<16xi32>
    %swap3A_64 = arith.constant 48 : index
    %swap3A_65 = tpu.vector_load %arg12[%swap3A_64] {strides = array<i32>} : memref<128xi32, #tpu.memory_space<vmem>>, vector<16xi32>,
    tpu.vector_store %arg12[%swap3A_64], %or3A_63 {strides = array<i32>} : memref<128xi32, #tpu.memory_space<vmem>>, vector<16xi32>,
    %dma_wait3A_66 = tpu.memref_slice %arg2[%mul3A_2] : memref<262144xi32, #tpu.memory_space<hbm>> -> memref<8192xi32, #tpu.memory_space<hbm>>
    %dma_wait3A_67 = tpu.memref_slice %arg2[%mul3A_2] : memref<262144xi32, #tpu.memory_space<hbm>> -> memref<8192xi32, #tpu.memory_space<hbm>>
    tpu.wait_dma2 semaphore(%arg13 : memref<!tpu.dma_semaphore, #tpu.memory_space<semaphore_mem>>) src(%dma_wait3A_67 : memref<8192xi32, #tpu.memory_space<hbm>>) dst(%arg7 : memref<8192xi32, #tpu.memory_space<vmem>>)
    %parallel_loop3A = arith.constant 0 : i32
    %parallel_loop3A_68 = arith.constant 4096 : i32
    %parallel_loop3A_69 = arith.constant 16 : i32
    scf.for %parallel_loop3A_129 = %parallel_loop3A to %parallel_loop3A_68 step %parallel_loop3A_69  : i32 {
      %parallel_loop3A_130 = arith.index_cast %parallel_loop3A_129 : i32 to index
      %parallel_loop3A_131 = tpu.vector_load %arg7[%parallel_loop3A_130] {strides = array<i32>} : memref<8192xi32, #tpu.memory_space<vmem>>, vector<16xi32>,
      %parallel_loop3A_132 = tpu.vector_load_idx %arg12[%parallel_loop3A_131] : memref<128xi32, #tpu.memory_space<vmem>>[vector<16xi32>], vector<16xi32>,
      %parallel_loop3A_133 = arith.constant 16 : i32
      %parallel_loop3A_134 = vector.broadcast %parallel_loop3A_133 : i32 to vector<16xi32>
      %parallel_loop3A_135 = arith.shrsi %parallel_loop3A_132, %parallel_loop3A_134 : vector<16xi32>
      %parallel_loop3A_136 = arith.index_cast %parallel_loop3A_129 : i32 to index
      %parallel_loop3A_137 = tpu.vector_load %arg8[%parallel_loop3A_136] {strides = array<i32>} : memref<8192xi32, #tpu.memory_space<vmem>>, vector<16xi32>,
      tpu.vector_store %arg8[%parallel_loop3A_136], %parallel_loop3A_135 {strides = array<i32>} : memref<8192xi32, #tpu.memory_space<vmem>>, vector<16xi32>,
      %parallel_loop3A_138 = arith.constant 16 : i32
      %parallel_loop3A_139 = vector.broadcast %parallel_loop3A_138 : i32 to vector<16xi32>
      %parallel_loop3A_140 = arith.shli %parallel_loop3A_132, %parallel_loop3A_139 : vector<16xi32>
      %parallel_loop3A_141 = arith.constant 16 : i32
      %parallel_loop3A_142 = vector.broadcast %parallel_loop3A_141 : i32 to vector<16xi32>
      %parallel_loop3A_143 = arith.shrsi %parallel_loop3A_140, %parallel_loop3A_142 : vector<16xi32>
      %parallel_loop3A_144 = arith.index_cast %parallel_loop3A_129 : i32 to index
      %parallel_loop3A_145 = tpu.vector_load %arg9[%parallel_loop3A_144] {strides = array<i32>} : memref<8192xi32, #tpu.memory_space<vmem>>, vector<16xi32>,
      tpu.vector_store %arg9[%parallel_loop3A_144], %parallel_loop3A_143 {strides = array<i32>} : memref<8192xi32, #tpu.memory_space<vmem>>, vector<16xi32>,
    } {sc.loop_unroll_factor = 8 : i64, sc.parallel_access}
    %add3A_70 = arith.constant 0 : i32
    %add3A_71 = arith.addi %mul3A_2, %add3A_70 : i32
    %dma_start3A_72 = arith.constant 0 : i32
    %dma_start3A_73 = tpu.memref_slice %arg8[%dma_start3A_72] : memref<8192xi32, #tpu.memory_space<vmem>> -> memref<4096xi32, #tpu.memory_space<vmem>>
    %dma_start3A_74 = tpu.memref_slice %arg5[%add3A_71] : memref<262144xi32, #tpu.memory_space<hbm>> -> memref<4096xi32, #tpu.memory_space<hbm>>
    %dma_start3A_75 = tpu.memref_slice %arg5[%add3A_71] : memref<262144xi32, #tpu.memory_space<hbm>> -> memref<4096xi32, #tpu.memory_space<hbm>>
    %dma_start3A_76 = arith.constant 0 : i32
    %dma_start3A_77 = tpu.memref_slice %arg8[%dma_start3A_76] : memref<8192xi32, #tpu.memory_space<vmem>> -> memref<4096xi32, #tpu.memory_space<vmem>>
    tpu.enqueue_dma source(%dma_start3A_77 : memref<4096xi32, #tpu.memory_space<vmem>>) target(%dma_start3A_75 : memref<4096xi32, #tpu.memory_space<hbm>>) target_semaphore(%arg14 : memref<!tpu.dma_semaphore, #tpu.memory_space<semaphore_mem>>)
    %add3A_78 = arith.constant 0 : i32
    %add3A_79 = arith.addi %mul3A_2, %add3A_78 : i32
    %dma_start3A_80 = arith.constant 0 : i32
    %dma_start3A_81 = tpu.memref_slice %arg9[%dma_start3A_80] : memref<8192xi32, #tpu.memory_space<vmem>> -> memref<4096xi32, #tpu.memory_space<vmem>>
    %dma_start3A_82 = tpu.memref_slice %arg6[%add3A_79] : memref<262144xi32, #tpu.memory_space<hbm>> -> memref<4096xi32, #tpu.memory_space<hbm>>
    %dma_start3A_83 = tpu.memref_slice %arg6[%add3A_79] : memref<262144xi32, #tpu.memory_space<hbm>> -> memref<4096xi32, #tpu.memory_space<hbm>>
    %dma_start3A_84 = arith.constant 0 : i32
    %dma_start3A_85 = tpu.memref_slice %arg9[%dma_start3A_84] : memref<8192xi32, #tpu.memory_space<vmem>> -> memref<4096xi32, #tpu.memory_space<vmem>>
    tpu.enqueue_dma source(%dma_start3A_85 : memref<4096xi32, #tpu.memory_space<vmem>>) target(%dma_start3A_83 : memref<4096xi32, #tpu.memory_space<hbm>>) target_semaphore(%arg14 : memref<!tpu.dma_semaphore, #tpu.memory_space<semaphore_mem>>)
    %parallel_loop3A_86 = arith.constant 4096 : i32
    %parallel_loop3A_87 = arith.constant 8192 : i32
    %parallel_loop3A_88 = arith.constant 16 : i32
    scf.for %parallel_loop3A_129 = %parallel_loop3A_86 to %parallel_loop3A_87 step %parallel_loop3A_88  : i32 {
      %parallel_loop3A_130 = arith.index_cast %parallel_loop3A_129 : i32 to index
      %parallel_loop3A_131 = tpu.vector_load %arg7[%parallel_loop3A_130] {strides = array<i32>} : memref<8192xi32, #tpu.memory_space<vmem>>, vector<16xi32>,
      %parallel_loop3A_132 = tpu.vector_load_idx %arg12[%parallel_loop3A_131] : memref<128xi32, #tpu.memory_space<vmem>>[vector<16xi32>], vector<16xi32>,
      %parallel_loop3A_133 = arith.constant 16 : i32
      %parallel_loop3A_134 = vector.broadcast %parallel_loop3A_133 : i32 to vector<16xi32>
      %parallel_loop3A_135 = arith.shrsi %parallel_loop3A_132, %parallel_loop3A_134 : vector<16xi32>
      %parallel_loop3A_136 = arith.index_cast %parallel_loop3A_129 : i32 to index
      %parallel_loop3A_137 = tpu.vector_load %arg8[%parallel_loop3A_136] {strides = array<i32>} : memref<8192xi32, #tpu.memory_space<vmem>>, vector<16xi32>,
      tpu.vector_store %arg8[%parallel_loop3A_136], %parallel_loop3A_135 {strides = array<i32>} : memref<8192xi32, #tpu.memory_space<vmem>>, vector<16xi32>,
      %parallel_loop3A_138 = arith.constant 16 : i32
      %parallel_loop3A_139 = vector.broadcast %parallel_loop3A_138 : i32 to vector<16xi32>
      %parallel_loop3A_140 = arith.shli %parallel_loop3A_132, %parallel_loop3A_139 : vector<16xi32>
      %parallel_loop3A_141 = arith.constant 16 : i32
      %parallel_loop3A_142 = vector.broadcast %parallel_loop3A_141 : i32 to vector<16xi32>
      %parallel_loop3A_143 = arith.shrsi %parallel_loop3A_140, %parallel_loop3A_142 : vector<16xi32>
      %parallel_loop3A_144 = arith.index_cast %parallel_loop3A_129 : i32 to index
      %parallel_loop3A_145 = tpu.vector_load %arg9[%parallel_loop3A_144] {strides = array<i32>} : memref<8192xi32, #tpu.memory_space<vmem>>, vector<16xi32>,
      tpu.vector_store %arg9[%parallel_loop3A_144], %parallel_loop3A_143 {strides = array<i32>} : memref<8192xi32, #tpu.memory_space<vmem>>, vector<16xi32>,
    } {sc.loop_unroll_factor = 8 : i64, sc.parallel_access}
    %add3A_89 = arith.constant 4096 : i32
    %add3A_90 = arith.addi %mul3A_2, %add3A_89 : i32
    %dma_start3A_91 = arith.constant 4096 : i32
    %dma_start3A_92 = tpu.memref_slice %arg8[%dma_start3A_91] : memref<8192xi32, #tpu.memory_space<vmem>> -> memref<4096xi32, #tpu.memory_space<vmem>>
    %dma_start3A_93 = tpu.memref_slice %arg5[%add3A_90] : memref<262144xi32, #tpu.memory_space<hbm>> -> memref<4096xi32, #tpu.memory_space<hbm>>
    %dma_start3A_94 = tpu.memref_slice %arg5[%add3A_90] : memref<262144xi32, #tpu.memory_space<hbm>> -> memref<4096xi32, #tpu.memory_space<hbm>>
    %dma_start3A_95 = arith.constant 4096 : i32
    %dma_start3A_96 = tpu.memref_slice %arg8[%dma_start3A_95] : memref<8192xi32, #tpu.memory_space<vmem>> -> memref<4096xi32, #tpu.memory_space<vmem>>
    tpu.enqueue_dma source(%dma_start3A_96 : memref<4096xi32, #tpu.memory_space<vmem>>) target(%dma_start3A_94 : memref<4096xi32, #tpu.memory_space<hbm>>) target_semaphore(%arg14 : memref<!tpu.dma_semaphore, #tpu.memory_space<semaphore_mem>>)
    %add3A_97 = arith.constant 4096 : i32
    %add3A_98 = arith.addi %mul3A_2, %add3A_97 : i32
    %dma_start3A_99 = arith.constant 4096 : i32
    %dma_start3A_100 = tpu.memref_slice %arg9[%dma_start3A_99] : memref<8192xi32, #tpu.memory_space<vmem>> -> memref<4096xi32, #tpu.memory_space<vmem>>
    %dma_start3A_101 = tpu.memref_slice %arg6[%add3A_98] : memref<262144xi32, #tpu.memory_space<hbm>> -> memref<4096xi32, #tpu.memory_space<hbm>>
    %dma_start3A_102 = tpu.memref_slice %arg6[%add3A_98] : memref<262144xi32, #tpu.memory_space<hbm>> -> memref<4096xi32, #tpu.memory_space<hbm>>
    %dma_start3A_103 = arith.constant 4096 : i32
    %dma_start3A_104 = tpu.memref_slice %arg9[%dma_start3A_103] : memref<8192xi32, #tpu.memory_space<vmem>> -> memref<4096xi32, #tpu.memory_space<vmem>>
    tpu.enqueue_dma source(%dma_start3A_104 : memref<4096xi32, #tpu.memory_space<vmem>>) target(%dma_start3A_102 : memref<4096xi32, #tpu.memory_space<hbm>>) target_semaphore(%arg14 : memref<!tpu.dma_semaphore, #tpu.memory_space<semaphore_mem>>)
    %dma_wait3A_105 = arith.constant 0 : i32
    %dma_wait3A_106 = tpu.memref_slice %arg8[%dma_wait3A_105] : memref<8192xi32, #tpu.memory_space<vmem>> -> memref<4096xi32, #tpu.memory_space<vmem>>
    %dma_wait3A_107 = tpu.memref_slice %arg5[%add3A_71] : memref<262144xi32, #tpu.memory_space<hbm>> -> memref<4096xi32, #tpu.memory_space<hbm>>
    %dma_wait3A_108 = tpu.memref_slice %arg5[%add3A_71] : memref<262144xi32, #tpu.memory_space<hbm>> -> memref<4096xi32, #tpu.memory_space<hbm>>
    %dma_wait3A_109 = arith.constant 0 : i32
    %dma_wait3A_110 = tpu.memref_slice %arg8[%dma_wait3A_109] : memref<8192xi32, #tpu.memory_space<vmem>> -> memref<4096xi32, #tpu.memory_space<vmem>>
    tpu.wait_dma2 semaphore(%arg14 : memref<!tpu.dma_semaphore, #tpu.memory_space<semaphore_mem>>) src(%dma_wait3A_110 : memref<4096xi32, #tpu.memory_space<vmem>>) dst(%dma_wait3A_108 : memref<4096xi32, #tpu.memory_space<hbm>>)
    %dma_wait3A_111 = arith.constant 0 : i32
    %dma_wait3A_112 = tpu.memref_slice %arg9[%dma_wait3A_111] : memref<8192xi32, #tpu.memory_space<vmem>> -> memref<4096xi32, #tpu.memory_space<vmem>>
    %dma_wait3A_113 = tpu.memref_slice %arg6[%add3A_79] : memref<262144xi32, #tpu.memory_space<hbm>> -> memref<4096xi32, #tpu.memory_space<hbm>>
    %dma_wait3A_114 = tpu.memref_slice %arg6[%add3A_79] : memref<262144xi32, #tpu.memory_space<hbm>> -> memref<4096xi32, #tpu.memory_space<hbm>>
    %dma_wait3A_115 = arith.constant 0 : i32
    %dma_wait3A_116 = tpu.memref_slice %arg9[%dma_wait3A_115] : memref<8192xi32, #tpu.memory_space<vmem>> -> memref<4096xi32, #tpu.memory_space<vmem>>
    tpu.wait_dma2 semaphore(%arg14 : memref<!tpu.dma_semaphore, #tpu.memory_space<semaphore_mem>>) src(%dma_wait3A_116 : memref<4096xi32, #tpu.memory_space<vmem>>) dst(%dma_wait3A_114 : memref<4096xi32, #tpu.memory_space<hbm>>)
    %dma_wait3A_117 = arith.constant 4096 : i32
    %dma_wait3A_118 = tpu.memref_slice %arg8[%dma_wait3A_117] : memref<8192xi32, #tpu.memory_space<vmem>> -> memref<4096xi32, #tpu.memory_space<vmem>>
    %dma_wait3A_119 = tpu.memref_slice %arg5[%add3A_90] : memref<262144xi32, #tpu.memory_space<hbm>> -> memref<4096xi32, #tpu.memory_space<hbm>>
    %dma_wait3A_120 = tpu.memref_slice %arg5[%add3A_90] : memref<262144xi32, #tpu.memory_space<hbm>> -> memref<4096xi32, #tpu.memory_space<hbm>>
    %dma_wait3A_121 = arith.constant 4096 : i32
    %dma_wait3A_122 = tpu.memref_slice %arg8[%dma_wait3A_121] : memref<8192xi32, #tpu.memory_space<vmem>> -> memref<4096xi32, #tpu.memory_space<vmem>>
    tpu.wait_dma2 semaphore(%arg14 : memref<!tpu.dma_semaphore, #tpu.memory_space<semaphore_mem>>) src(%dma_wait3A_122 : memref<4096xi32, #tpu.memory_space<vmem>>) dst(%dma_wait3A_120 : memref<4096xi32, #tpu.memory_space<hbm>>)
    %dma_wait3A_123 = arith.constant 4096 : i32
    %dma_wait3A_124 = tpu.memref_slice %arg9[%dma_wait3A_123] : memref<8192xi32, #tpu.memory_space<vmem>> -> memref<4096xi32, #tpu.memory_space<vmem>>
    %dma_wait3A_125 = tpu.memref_slice %arg6[%add3A_98] : memref<262144xi32, #tpu.memory_space<hbm>> -> memref<4096xi32, #tpu.memory_space<hbm>>
    %dma_wait3A_126 = tpu.memref_slice %arg6[%add3A_98] : memref<262144xi32, #tpu.memory_space<hbm>> -> memref<4096xi32, #tpu.memory_space<hbm>>
    %dma_wait3A_127 = arith.constant 4096 : i32
    %dma_wait3A_128 = tpu.memref_slice %arg9[%dma_wait3A_127] : memref<8192xi32, #tpu.memory_space<vmem>> -> memref<4096xi32, #tpu.memory_space<vmem>>
    tpu.wait_dma2 semaphore(%arg14 : memref<!tpu.dma_semaphore, #tpu.memory_space<semaphore_mem>>) src(%dma_wait3A_128 : memref<4096xi32, #tpu.memory_space<vmem>>) dst(%dma_wait3A_126 : memref<4096xi32, #tpu.memory_space<hbm>>)
    return
  }
}

</mosaic_0001>

<sc_bundles>
// kernel: kernel.3.cloned.1.call-start
scs
__scs_entry_jumppad:
0x0: {  	(pc) =	sbr.rel $0x88, $3  }
0x1: {  	(tag) =	ssettag $0x0;
	lr =	simm.s32 $0x1  }
0x2: {  	[smem:$0x3F9E] =	sst lr;
	_ =	strace $0xD0000000  }
0x3: {  	_ = 	snop  }
0x4: {  	_ = 	snop  }
0x5: {  	_ = 	snop  }
0x6: {  	_ = 	snop  }
0x7: {  	_ = 	snop  }
__scs_overlays_trampoline_lowered:
0x8: {  	[smem:$0x3FAD] =	sst s0  }
0x9: {  	[smem:$0x3FAE] =	sst s1  }
0xa: {  	[smem:$0x3FAF] =	sst s2  }
0xb: {  	[smem:$0x3FB0] =	sst s3  }
0xc: {  	[smem:$0x3FB1] =	sst s4  }
0xd: {  	[smem:$0x3FB2] =	sst s5  }
0xe: {  	[smem:$0x3FB3] =	sst s6  }
0xf: {  	[smem:$0x3FB4] =	sst s7  }
0x10: {  	[smem:$0x3FB5] =	sst s8  }
0x11: {  	[smem:$0x3FB6] =	sst s9;
	s0 =	simm.s32 @!p0 $0x0  }
0x12: {  	s1 =	sld [smem:$0x3F9C];
	s0 =	simm.s32 @p0 $0x1  }
0x13: {  	[smem:$0x3FB7] =	sst s0;
	s0 =	simm.s32 @!p1 $0x0  }
0x14: {  	s2 =	sld [smem:$0x3F9B];
	s0 =	simm.s32 @p1 $0x1  }
0x15: {  	[smem:$0x3FB8] =	sst s0;
	s0 =	simm.s32 @!p2 $0x0  }
0x16: {  	s3 =	sld [smem:$0x3FDB];
	s0 =	simm.s32 @p2 $0x1  }
0x17: {  	s4 =	simm.s32 $0x1BF5;
	[smem:$0x3FBA] =	sst s0  }
0x18: {  	s0 =	sld [smem:$0x3F9D];
	_ =	swait.ge [sflag:s4], $0x0  }
0x19: {  	s7 =	sld [smem:$0x3F9E]  }
0x1a: {  	s8 =	sadd.s32 $0xFFFFE003, lr  }
0x1b: {  	s9 =	sadd.s32 $0xFFFFFEF7, lr;
	s5 =	simm.s32 $0xFFFFFFFF;
	p2 =	slt.u32 s8, $0xFFFFF086  }
0x1c: {  	p1 =	slt.u32 s9, $0xF7A;
	s5 =	simm.s32 @!p2 $0x0  }
0x1d: {  	s5 =	simm.s32 @p1 $0x1;
	p0 =	seq.s32 s7, s2  }
0x1e: {  	s7 =	smul.u32 @!p0 $0xF7A, s2;
	p2 =	seq.s32 @!p0 s5, $0x0  }
0x1f: {  	s9 =	smul.u32 $0xF7A, s1;
	s8 =	simm.s32 @!p0 $0x1BF5;
	p2 =	por !p2, p0  }
0x20: {  	[sflag:s8] =	ssyncset.s32 @!p0 $0xFFFFF086;
	s6 =	sadd.s32 @!p0 s3, s7;
	s7 =	simm.s32 @!p0 $0x108  }
0x21: {  	s3 =	sadd.s32 s3, s9;
	s6 =	sadd.s32 @!p0 $0x88, s6;
	s7 =	simm.s32 @p2 $0x1082  }
0x22: {  	[simem:s7], [sflag:s8] =	dma.local @!p0 [hbm:s6], $0xF7A  }
0x23: {  	s9 =	sor.u32 $0xD0000000, s2;
	s6 =	simm.s32 $0x108;
	_ =	swait.ge @!p0 [sflag:s8], $0x0  }
0x24: {  	s3 =	sadd.s32 $0x88, s3;
	s6 =	simm.s32 @!p1 $0x1082;
	[sflag:s4] =	ssyncset.s32 $0xFFFFF086  }
0x25: {  	[simem:s6], [sflag:s4] =	dma.local [hbm:s3], $0xF7A  }
0x26: {  	[smem:$0x3F9E] =	sst s1;
	(tag) =	ssettag s2;
	_ =	strace s9  }
0x27: {  	s1 =	sld [smem:$0x3FAE]  }
0x28: {  	s2 =	sld [smem:$0x3FAF]  }
0x29: {  	s4 =	sld [smem:$0x3FB1]  }
0x2a: {  	p0 =	seq.s32 s5, $0x0;
	s5 =	sld [smem:$0x3FB2]  }
0x2b: {  	s6 =	sld [smem:$0x3FB3]  }
0x2c: {  	s7 =	sld [smem:$0x3FB4]  }
0x2d: {  	s3 =	simm.s32 $0x108;
	s8 =	sld [smem:$0x3FB5]  }
0x2e: {  	s3 =	simm.s32 @!p0 $0x1082;
	s9 =	sld [smem:$0x3FB6]  }
0x2f: {  	lr =	sadd.s32 s0, s3;
	s0 =	sld [smem:$0x3FAD]  }
0x30: {  	s3 =	sld [smem:$0x3FB0]  }
0x31: {  	[smem:$0x3FB9] =	sst s10  }
0x32: {  	s10 =	sld [smem:$0x3FB7];
	_ =	sdelay $0x3  }
0x33: {  	p0 =	seq.s32 s10, $0x1;
	s10 =	sld [smem:$0x3FB9];
	_ =	sdelay $0x3  }
0x34: {  	[smem:$0x3FB9] =	sst s10  }
0x35: {  	s10 =	sld [smem:$0x3FB8];
	_ =	sdelay $0x3  }
0x36: {  	p1 =	seq.s32 s10, $0x1;
	s10 =	sld [smem:$0x3FB9];
	_ =	sdelay $0x3  }
0x37: {  	[smem:$0x3FB9] =	sst s10  }
0x38: {  	s10 =	sld [smem:$0x3FBA]  }
0x39: {  	_ = 	snop;
	(pc) =	sbr.ind lr, $3  }
0x3a: {  	_ = 	snop  }
0x3b: {  	_ = 	snop  }
0x3c: {  	p2 =	seq.s32 s10, $0x1;
	s10 =	sld [smem:$0x3FB9]  }
0x3d: {  	_ =	shalt  }
0x3e: {  	_ =	shalt  }
0x3f: {  	_ =	shalt  }
0x40: {  	_ =	shalt  }
0x41: {  	_ =	shalt  }
0x42: {  	_ =	shalt  }
0x43: {  	_ =	shalt  }
0x44: {  	_ =	shalt  }
0x45: {  	_ =	shalt  }
0x46: {  	_ =	shalt  }
0x47: {  	_ =	shalt  }
0x48: {  	_ =	shalt  }
0x49: {  	_ =	shalt  }
0x4a: {  	_ =	shalt  }
0x4b: {  	_ =	shalt  }
0x4c: {  	_ =	shalt  }
0x4d: {  	_ =	shalt  }
0x4e: {  	_ =	shalt  }
0x4f: {  	_ =	shalt  }
0x50: {  	_ =	shalt  }
0x51: {  	_ =	shalt  }
0x52: {  	_ =	shalt  }
0x53: {  	_ =	shalt  }
0x54: {  	_ =	shalt  }
0x55: {  	_ =	shalt  }
0x56: {  	_ =	shalt  }
0x57: {  	_ =	shalt  }
0x58: {  	_ =	shalt  }
0x59: {  	_ =	shalt  }
0x5a: {  	_ =	shalt  }
0x5b: {  	_ =	shalt  }
0x5c: {  	_ =	shalt  }
0x5d: {  	_ =	shalt  }
0x5e: {  	_ =	shalt  }
0x5f: {  	_ =	shalt  }
0x60: {  	_ =	shalt  }
0x61: {  	_ =	shalt  }
0x62: {  	_ =	shalt  }
0x63: {  	_ =	shalt  }
0x64: {  	_ =	shalt  }
0x65: {  	_ =	shalt  }
0x66: {  	_ =	shalt  }
0x67: {  	_ =	shalt  }
0x68: {  	_ =	shalt  }
0x69: {  	_ =	shalt  }
0x6a: {  	_ =	shalt  }
0x6b: {  	_ =	shalt  }
0x6c: {  	_ =	shalt  }
0x6d: {  	_ =	shalt  }
0x6e: {  	_ =	shalt  }
0x6f: {  	_ =	shalt  }
0x70: {  	_ =	shalt  }
0x71: {  	_ =	shalt  }
0x72: {  	_ =	shalt  }
0x73: {  	_ =	shalt  }
0x74: {  	_ =	shalt  }
0x75: {  	_ =	shalt  }
0x76: {  	_ =	shalt  }
0x77: {  	_ =	shalt  }
0x78: {  	_ =	shalt  }
0x79: {  	_ =	shalt  }
0x7a: {  	_ =	shalt  }
0x7b: {  	_ =	shalt  }
0x7c: {  	_ =	shalt  }
0x7d: {  	_ =	shalt  }
0x7e: {  	_ =	shalt  }
0x7f: {  	_ =	shalt  }
0x80: {  	_ =	shalt  }
0x81: {  	_ =	shalt  }
0x82: {  	_ =	shalt  }
0x83: {  	_ =	shalt  }
0x84: {  	_ =	shalt  }
0x85: {  	_ =	shalt  }
0x86: {  	_ =	shalt  }
0x87: {  	_ =	shalt  }
.Lfunc_end0:
.L_simem_size_0:
called_computation_lowered:
.L_overlay_start_0:
0x88: {  	s2 =	sld [smem:$0x3FD9]  }
0x89: {  	s3 =	sld [smem:$0x3FFE];
	_ =	sdelay $0x1  }
0x8a: {  	s1 =	srdreg.scid  }
0x8b: {  	s0 =	sand.u32 $0x1, s1  }
0x8c: {  	s15 =	sshll.u32 s0, $0xA;
	s2 =	sadd.s32 s3, s2  }
0x8d: {  	s2 =	sadd.s32 s2, s15  }
0x8e: {  	[smem:$0x3FC5] =	sst s2  }
0x8f: {  	_ = 	snop  }
0x90: {  	s2 =	sld [smem:$0x3FD0]  }
0x91: {  	s16 =	sld [smem:$0x3FC9]  }
0x92: {  	s4 =	sld [smem:$0x3FC8]  }
0x93: {  	s6 =	simm.s32 $0xA;
	s7 =	simm.s32 $0x10;
	s5 =	sld [smem:$0x3FC7]  }
0x94: {  	[smem:s7], [sflag:s6] =	dma.local [hbm:s2], $0x1  }
0x95: {  	_ =	swait.eq [sflag:s6], $0x1  }
0x96: {  	[sflag:s6] =	ssyncset.done $0x0  }
0x97: {  	s17 =	sld [smem:$0x10];
	[sflag:s6] =	ssyncadd.s32 $0xFFFFFFFF  }
0x98: {  	s18 =	sld [smem:$0x11];
	(tm) =	ssettm $0x1  }
0x99: {  	s19 =	sld [smem:$0x3FFB];
	_ =	sdelay $0x3  }
0x9a: {  	_ =	strace s19  }
0x9b: {  	s7 =	sld [smem:$0x3FFC];
	_ =	sdelay $0x3  }
0x9c: {  	_ =	strace s7  }
0x9d: {  	s7 =	sld [smem:$0x3FFD];
	_ =	sdelay $0x3  }
0x9e: {  	_ =	strace s7  }
0x9f: {  	_ =	strace $0x8FFFFFFF  }
0xa0: {  	s20 =	sld [smem:$0x3FDB];
	_ =	sdelay $0x1  }
0xa1: {  	s8 =	simm.s32 $_scs_section_size  }
0xa2: {  	s9 =	simm.s32 $_size__tile_overlayer_lowered;
	s10 =	simm.s32 $_tile_overlayer_lowered  }
0xa3: {  	s23 =	simm.s32 $0x1BFF;
	s22 =	sshll.u32 s10, $0x1;
	s7 =	sadd.s32 s8, s20  }
0xa4: {  	s11 =	simm.s32 $0x0;
	s21 =	sshll.u32 s9, $0x1;
	s9 =	sadd.s32 s22, s7  }
0xa5: {  	[timem:s11], [sflag:s23] =	dma.local [hbm:s9], s21  }
0xa6: {  	_ =	swait.ge [sflag:s23], s21  }
0xa7: {  	s8 =	ssub.s32 $0x0, s21;
	[sflag:s23] =	ssyncset.done $0x0  }
0xa8: {  	[sflag:s23] =	ssyncadd.s32 s8;
	_ =	sdelay $0x1  }
0xa9: {  	s24 =	simm.s32 $0x1B8B  }
0xaa: {  	_ =	swait.ge [sflag:s24], $0x1  }
0xab: {  	[sflag:s24] =	ssyncset.done $0x0  }
0xac: {  	s25 =	simm.s32 $0x1B8E;
	[sflag:s24] =	ssyncadd.s32 $0xFFFFFFFF  }
0xad: {  	s26 =	simm.s32 $execute0_lowered;
	[smem:$0x3FD2] =	sst s25  }
0xae: {  	s8 =	sshll.u32 s26, $0x1;
	_ =	strace $0x80000046;
	[dreg:$0x1] =	wrdreg $0xFFFFFFFF  }
0xaf: {  	s28 =	simm.s32 $_size_execute0_lowered;
	s7 =	sadd.s32 s7, s8;
	[dreg:$0x0] =	wrdreg $0x0  }
0xb0: {  	s8 =	sshll.u32 s28, $0x1;
	[dreg:$0x2] =	wrdreg s7  }
0xb1: {  	[dreg:$0x3] =	wrdreg s8  }
0xb2: {  	[dreg:$0x4] =	wrdreg $0xC0  }
0xb3: {  	_ =	task [dreg:s11], $0x5FFFF  }
0xb4: {  	[dreg:$0x1] =	wrdreg $0xFFFFFFFF  }
0xb5: {  	[dreg:$0x0] =	wrdreg $0x60  }
0xb6: {  	[dreg:$0x2] =	wrdreg s16  }
0xb7: {  	[dreg:$0x3] =	wrdreg s4  }
0xb8: {  	[dreg:$0x4] =	wrdreg s5  }
0xb9: {  	[dreg:$0x5] =	wrdreg s17  }
0xba: {  	[dreg:$0x6] =	wrdreg s18  }
0xbb: {  	[dreg:$0x7] =	wrdreg $0x9  }
0xbc: {  	_ =	task.clear_ibuf [dreg:s11], $0x8FFFF;
	_ =	strace $0x90000046  }
0xbd: {  	s29 =	simm.s32 $0x9;
	_ =	strace $0x80000048  }
0xbe: {  	_ =	swait.ge [sflag:s29], $0x1  }
0xbf: {  	[sflag:s29] =	ssyncadd.s32 $0xFFFFFFFF  }
0xc0: {  	_ =	strace $0x90000048  }
0xc1: {  	_ =	sfence  }
0xc2: {  	s30 =	sld [smem:$0x0];
	_ =	sdelay $0x2  }
0xc3: {  	s31 =	sshll.u32 s1, $0xD;
	s1 =	sshrl.u32 s1, $0x2  }
0xc4: {  	s3 =	sand.u32 $0x4000, s31;
	s1 =	sadd.s32 s1, s30  }
0xc5: {  	s0 =	sor.u32 s3, s0;
	s1 =	sshll.u32 s1, $0x11  }
0xc6: {  	s0 =	sor.u32 s1, s0  }
0xc7: {  	s0 =	sadd.s32 $0x8F2B, s0  }
0xc8: {  	[sflag:s0] =	ssyncadd.remote.s32 $0x1  }
0xc9: {  	_ =	sfence.sel $0xFFFF  }
0xca: {  	[dreg:$0x0] =	wrdreg $0xFFFFFFFF;
	(pc) =	sbr.abs _section_cstart, $3  }
0xcb: {  	[dreg:$0x1] =	wrdreg $0xFFFFFFFF  }
0xcc: {  	_ =	task.clear_ibuf [dreg:s11], $0x2FFFF;
	_ =	strace $0x9FFFFFFF  }
0xcd: {  	(tm) =	ssettm $0x7FFFFFFF  }
tec
execute0_lowered:
.L_overlay_start_1:
0x0: {  	(tag) =	ssettag $0x1  }
0x1: {  	s5 =	rddreg [dreg:$0x0]  }
0x2: {  	s1 =	rddreg [dreg:$0x1]  }
0x3: {  	s2 =	rddreg [dreg:$0x2]  }
0x4: {  	s8 =	rddreg [dreg:$0x3]  }
0x5: {  	s9 =	rddreg [dreg:$0x4]  }
0x6: {  	s0 =	rddreg [dreg:$0x5];
	s4 =	simm.s32 $0x0;
	s6 =	srdreg.scid  }
0x7: {  	s3 =	stileid.u32;
	s13 =	simm.s32 $0x2;
	s14 =	simm.s32 $0x1  }
0x8: {  	s15 =	simm.s32 $0x6100;
	s16 =	simm.s32 $0x2000;
	s17 =	simm.s32 $0x4000  }
0x9: {  	s18 =	simm.s32 $0x3000;
	s19 =	simm.s32 $0x5000;
	s6 =	sand.u32 $0x1, s6  }
0xa: {  	s20 =	simm.s32 $0x0;
	[smem:$0x7FF] =	sst s4;
	s7 =	ssub.s32 $0x2, s6  }
0xb: {  	s10 =	sshll.u32 s3, $0xB;
	s6 =	sshll.u32 s6, $0xA;
	s11 =	sshrl.u32 s7, $0x1  }
0xc: {  	_ =	strace $0x80000047;
	s10 =	sor.u32 s6, s10;
	s11 =	ssub.s32 s7, s11  }
0xd: {  	s5 =	sadd.s32 s5, s10;
	s12 =	sor.u32 $0x200, s10;
	s6 =	sadd.s32 s8, s10  }
0xe: {  	s7 =	sadd.s32 s9, s10;
	s8 =	sadd.s32 s8, s12;
	s9 =	sadd.s32 s9, s12  }
0xf: {  	s10 =	smax.u32 s11, $0x1;
	s11 =	simm.s32 $0x6000;
	s12 =	simm.s32 $0x6080  }
.LBB2_1:
0x10: {  	[tilespmem:s4], [sflag:$0x1] =	stream.linear.gather [hbm4b:s5+s4], $0x2000, $0x38;
	[tilespmem:$0x6180] =	vst v63  }
0x11: {  	_ = 	snop  }
0x12: {  	[tilespmem:s11], [sflag:$0x2] =	stream.linear.gather [hbm4b:s1+s4], $0x40, $0x38;
	[tilespmem:$0x6180] =	vst v63  }
0x13: {  	_ = 	snop  }
0x14: {  	[tilespmem:s12], [sflag:$0x2] =	stream.linear.gather [hbm4b:s2+s4], $0x40, $0x38;
	[tilespmem:$0x6180] =	vst v63  }
0x15: {  	_ =	swait.ge [sflag:s13], $0x40  }
0x16: {  	[sflag:s13] =	ssyncset.done $0x0  }
0x17: {  	[sflag:s13] =	ssyncadd.s32 $0xFFFFFFC0  }
0x18: {  	_ =	swait.ge [sflag:s13], $0x40  }
0x19: {  	[sflag:s13] =	ssyncset.done $0x0  }
0x1a: {  	[sflag:s13] =	ssyncadd.s32 $0xFFFFFFC0  }
0x1b: {  	v0 =	vld [tilespmem:$0x6000]  }
0x1c: {  	v1 =	vld [tilespmem:$0x6080]  }
0x1d: {  	v2 =	vld [tilespmem:$0x6010]  }
0x1e: {  	v3 =	vld [tilespmem:$0x6090]  }
0x1f: {  	v4 =	vld [tilespmem:$0x6020]  }
0x20: {  	v5 =	vld [tilespmem:$0x60A0]  }
0x21: {  	v6 =	vld [tilespmem:$0x6030]  }
0x22: {  	v7 =	vld [tilespmem:$0x60B0];
	_ =	sdelay $0x1  }
0x23: {  	v0 =	vshll.u32 v0, $0x10;
	v1 =	vand.u32 $0xFFFF, v1  }
0x24: {  	v0 =	vor.u32 v0, v1;
	v1 =	vshll.u32 v2, $0x10;
	v2 =	vand.u32 $0xFFFF, v3  }
0x25: {  	[tilespmem:$0x6100] =	vst v0;
	v0 =	vor.u32 v1, v2;
	v1 =	vshll.u32 v4, $0x10;
	v2 =	vand.u32 $0xFFFF, v5  }
0x26: {  	[tilespmem:$0x6110] =	vst v0;
	v0 =	vor.u32 v1, v2;
	v1 =	vshll.u32 v6, $0x10;
	v2 =	vand.u32 $0xFFFF, v7  }
0x27: {  	[tilespmem:$0x6120] =	vst v0;
	v0 =	vor.u32 v1, v2  }
0x28: {  	[tilespmem:$0x6130] =	vst v0  }
0x29: {  	_ =	swait.ge [sflag:s14], $0x2000  }
0x2a: {  	[sflag:s14] =	ssyncset.done $0x0  }
0x2b: {  	s21 =	simm.s32 $0x40;
	[sflag:s14] =	ssyncadd.s32 $0xFFFFE000  }
0x2c: {  	v0 =	vld [tilespmem:s21+$0xFFFFFFC0]  }
0x2d: {  	v1 =	vld [tilespmem:s21+$0x30]  }
0x2e: {  	v2 =	vld [tilespmem:s21+$0x20]  }
0x2f: {  	v3 =	vld [tilespmem:s21+$0x10]  }
0x30: {  	v4 =	vld [tilespmem:s21+$0x0]  }
0x31: {  	v6 =	vld [tilespmem:s21+$0xFFFFFFE0]  }
0x32: {  	v5 =	vld [tilespmem:s21+$0xFFFFFFF0]  }
0x33: {  	v7 =	vld [tilespmem:s21+$0xFFFFFFD0]  }
0x34: {  	v0 =	vld.idx.msk [tilespmem:v0+s15+$0x0], $0xffff  }
0x35: {  	v1 =	vld.idx.msk [tilespmem:v1+s15+$0x0], $0xffff  }
0x36: {  	v2 =	vld.idx.msk [tilespmem:v2+s15+$0x0], $0xffff  }
0x37: {  	v3 =	vld.idx.msk [tilespmem:v3+s15+$0x0], $0xffff  }
0x38: {  	v4 =	vld.idx.msk [tilespmem:v4+s15+$0x0], $0xffff  }
0x39: {  	v13 =	vld.idx.msk [tilespmem:v6+s15+$0x0], $0xffff  }
0x3a: {  	s21 =	simm.s32 $0x2040;
	v5 =	vld.idx.msk [tilespmem:v5+s15+$0x0], $0xffff;
	v8 =	vshra.s32 v0, $0x10  }
0x3b: {  	s22 =	simm.s32 $0xC0;
	v7 =	vld.idx.msk [tilespmem:v7+s15+$0x0], $0xffff;
	v0 =	vshll.u32 v0, $0x10;
	v6 =	vshra.s32 v1, $0x10;
	[tilespmem:s21+$0xFFFFFFC0] =	vst v8  }
0x3c: {  	v9 =	vshll.u32 v1, $0x10;
	v10 =	vshra.s32 v2, $0x10;
	v8 =	vshra.s32 v0, $0x10;
	v0 =	vld [tilespmem:s22+$0xFFFFFFC0];
	[tilespmem:s21+$0x30] =	vst v6  }
0x3d: {  	v12 =	vshll.u32 v2, $0x10;
	v1 =	vld [tilespmem:s22+$0x30];
	v14 =	vshra.s32 v3, $0x10;
	v3 =	vshll.u32 v3, $0x10;
	[tilespmem:s21+$0x20] =	vst v10  }
0x3e: {  	v2 =	vld [tilespmem:s22+$0x20];
	v15 =	vshra.s32 v4, $0x10;
	v4 =	vshll.u32 v4, $0x10;
	v17 =	vshll.u32 v13, $0x10;
	[tilespmem:s21+$0x10] =	vst v14  }
0x3f: {  	s23 =	simm.s32 $0x4040;
	v13 =	vshra.s32 v13, $0x10;
	v6 =	vshra.s32 v9, $0x10;
	v16 =	vshra.s32 v3, $0x10;
	v3 =	vld [tilespmem:s22+$0x10];
	[tilespmem:s21+$0x0] =	vst v15  }
0x40: {  	v11 =	vshra.s32 v4, $0x10;
	v14 =	vshra.s32 v12, $0x10;
	v10 =	vshra.s32 v7, $0x10;
	[tilespmem:s23+$0x30] =	vst v6;
	v6 =	vld [tilespmem:s22+$0x0]  }
0x41: {  	v4 =	vld [tilespmem:s22+$0xFFFFFFF0];
	v12 =	vshll.u32 v7, $0x10;
	[tilespmem:s23+$0xFFFFFFC0] =	vst v8;
	v8 =	vshra.s32 v5, $0x10;
	v5 =	vshll.u32 v5, $0x10  }
0x42: {  	s26 =	simm.s32 $0x80;
	s24 =	simm.s32 $0x4040;
	s25 =	simm.s32 $0x2040;
	v7 =	vshra.s32 v17, $0x10;
	[tilespmem:s23+$0x10] =	vst v16;
	v12 =	vshra.s32 v12, $0x10;
	v9 =	vshra.s32 v5, $0x10;
	v5 =	vld [tilespmem:s22+$0xFFFFFFE0]  }
.LBB2_2:
0x43: {  	s26 =	sadd.s32 $0x80, s26;
	v15 =	vld [tilespmem:s22+$0xFFFFFFD0];
	[tilespmem:s23+$0x20] =	vst v14;
	s21 =	sadd.s32 $0x80, s21;
	s24 =	sadd.s32 $0x80, s24  }
0x44: {  	p0 =	slt.u32 s26, $0xF80;
	v0 =	vld.idx.msk [tilespmem:v0+s15+$0x0], $0xffff;
	[tilespmem:s23+$0x0] =	vst v11  }
0x45: {  	v1 =	vld.idx.msk [tilespmem:v1+s15+$0x0], $0xffff;
	[tilespmem:s25+$0xFFFFFFF0] =	vst v8  }
0x46: {  	v2 =	vld.idx.msk [tilespmem:v2+s15+$0x0], $0xffff;
	[tilespmem:s23+$0xFFFFFFF0] =	vst v9  }
0x47: {  	v3 =	vld.idx.msk [tilespmem:v3+s15+$0x0], $0xffff;
	[tilespmem:s25+$0xFFFFFFE0] =	vst v13  }
0x48: {  	v6 =	vld.idx.msk [tilespmem:v6+s15+$0x0], $0xffff;
	[tilespmem:s25+$0xFFFFFFD0] =	vst v10;
	s25 =	smov.u32 s21  }
0x49: {  	v4 =	vld.idx.msk [tilespmem:v4+s15+$0x0], $0xffff;
	[tilespmem:s23+$0xFFFFFFD0] =	vst v12  }
0x4a: {  	v8 =	vshra.s32 v0, $0x10;
	v0 =	vshll.u32 v0, $0x10;
	v13 =	vld.idx.msk [tilespmem:v5+s15+$0x0], $0xffff;
	[tilespmem:s23+$0xFFFFFFE0] =	vst v7;
	s23 =	smov.u32 s24  }
0x4b: {  	s22 =	sadd.s32 $0x80, s22;
	v5 =	vshra.s32 v0, $0x10;
	v9 =	vshll.u32 v1, $0x10;
	[tilespmem:s21+$0xFFFFFFC0] =	vst v8;
	v7 =	vld.idx.msk [tilespmem:v15+s15+$0x0], $0xffff;
	v8 =	vshra.s32 v1, $0x10  }
0x4c: {  	v10 =	vshra.s32 v2, $0x10;
	v12 =	vshll.u32 v2, $0x10;
	v0 =	vld [tilespmem:s22+$0xFFFFFFC0];
	[tilespmem:s21+$0x30] =	vst v8  }
0x4d: {  	v14 =	vshra.s32 v3, $0x10;
	v3 =	vshll.u32 v3, $0x10;
	v8 =	vshra.s32 v9, $0x10;
	v1 =	vld [tilespmem:s22+$0x30];
	[tilespmem:s21+$0x20] =	vst v10  }
.Ltmp0:
0x4e: {  	v15 =	vshra.s32 v6, $0x10;
	v6 =	vshll.u32 v6, $0x10;
	v16 =	vshra.s32 v3, $0x10;
	v2 =	vld [tilespmem:s22+$0x20];
	[tilespmem:s24+$0x30] =	vst v8;
	(pc) =	sbr.rel @p0 .LBB2_2-.Ltmp0, $4  }
0x4f: {  	v8 =	vshra.s32 v4, $0x10;
	v4 =	vshll.u32 v4, $0x10;
	v11 =	vshra.s32 v6, $0x10;
	v3 =	vld [tilespmem:s22+$0x10];
	[tilespmem:s24+$0xFFFFFFC0] =	vst v5  }
0x50: {  	v5 =	vshll.u32 v13, $0x10;
	v9 =	vshra.s32 v4, $0x10;
	v6 =	vld [tilespmem:s22+$0x0];
	[tilespmem:s21+$0x10] =	vst v14;
	v14 =	vshra.s32 v12, $0x10  }
0x51: {  	v10 =	vshra.s32 v7, $0x10;
	v12 =	vshll.u32 v7, $0x10;
	v7 =	vshra.s32 v5, $0x10;
	v4 =	vld [tilespmem:s22+$0xFFFFFFF0];
	[tilespmem:s24+$0x10] =	vst v16  }
0x52: {  	v13 =	vshra.s32 v13, $0x10;
	v12 =	vshra.s32 v12, $0x10;
	v5 =	vld [tilespmem:s22+$0xFFFFFFE0];
	[tilespmem:s21+$0x0] =	vst v15  }
0x53: {  	_ =	sdelay $0x1  }
0x54: {  	[tilespmem:s23+$0x20] =	vst v14  }
0x55: {  	[tilespmem:s23+$0x0] =	vst v11  }
0x56: {  	v0 =	vld.idx.msk [tilespmem:v0+s15+$0x0], $0xffff;
	[tilespmem:s25+$0xFFFFFFF0] =	vst v8  }
0x57: {  	v1 =	vld.idx.msk [tilespmem:v1+s15+$0x0], $0xffff;
	[tilespmem:s25+$0xFFFFFFE0] =	vst v13  }
0x58: {  	v2 =	vld.idx.msk [tilespmem:v2+s15+$0x0], $0xffff;
	[tilespmem:s25+$0xFFFFFFD0] =	vst v10  }
0x59: {  	[tilespmem:s23+$0xFFFFFFF0] =	vst v9  }
0x5a: {  	v8 =	vld [tilespmem:s22+$0xFFFFFFD0];
	[tilespmem:s23+$0xFFFFFFD0] =	vst v12  }
0x5b: {  	s21 =	sadd.s32 $0x80, s21;
	v3 =	vld.idx.msk [tilespmem:v3+s15+$0x0], $0xffff;
	[tilespmem:s23+$0xFFFFFFE0] =	vst v7;
	v9 =	vshra.s32 v0, $0x10  }
0x5c: {  	v7 =	vshra.s32 v1, $0x10;
	[tilespmem:s21+$0xFFFFFFC0] =	vst v9  }
0x5d: {  	v1 =	vshll.u32 v1, $0x10;
	v9 =	vshra.s32 v2, $0x10;
	[tilespmem:s21+$0x30] =	vst v7  }
0x5e: {  	s30 =	sadd.s32 $0x80, s24;
	v6 =	vld.idx.msk [tilespmem:v6+s15+$0x0], $0xffff;
	v0 =	vshll.u32 v0, $0x10;
	v1 =	vshra.s32 v1, $0x10;
	[tilespmem:s21+$0x20] =	vst v9  }
0x5f: {  	v0 =	vshra.s32 v0, $0x10;
	[tilespmem:s30+$0x30] =	vst v1  }
0x60: {  	v2 =	vshll.u32 v2, $0x10;
	v1 =	vld.idx.msk [tilespmem:v4+s15+$0x0], $0xffff;
	v4 =	vshra.s32 v3, $0x10;
	[tilespmem:s30+$0xFFFFFFC0] =	vst v0  }
0x61: {  	v3 =	vshll.u32 v3, $0x10;
	v2 =	vshra.s32 v2, $0x10;
	[tilespmem:s21+$0x10] =	vst v4  }
0x62: {  	v0 =	vshra.s32 v3, $0x10;
	v3 =	vld.idx.msk [tilespmem:v5+s15+$0x0], $0xffff;
	[tilespmem:s30+$0x20] =	vst v2  }
0x63: {  	v4 =	vshra.s32 v6, $0x10;
	v5 =	vshll.u32 v6, $0x10;
	[tilespmem:s30+$0x10] =	vst v0;
	v0 =	vld.idx.msk [tilespmem:v8+s15+$0x0], $0xffff  }
0x64: {  	[tilespmem:s21+$0x0] =	vst v4;
	v4 =	vshra.s32 v5, $0x10  }
0x65: {  	[tilespmem:s30+$0x0] =	vst v4;
	v2 =	vshra.s32 v1, $0x10;
	v1 =	vshll.u32 v1, $0x10  }
0x66: {  	v1 =	vshra.s32 v1, $0x10;
	[tilespmem:s21+$0xFFFFFFF0] =	vst v2  }
0x67: {  	v2 =	vshra.s32 v3, $0x10;
	[tilespmem:s30+$0xFFFFFFF0] =	vst v1  }
0x68: {  	v1 =	vshra.s32 v0, $0x10;
	v0 =	vshll.u32 v0, $0x10;
	[tilespmem:s21+$0xFFFFFFE0] =	vst v2  }
0x69: {  	v2 =	vshll.u32 v3, $0x10;
	v0 =	vshra.s32 v0, $0x10;
	[tilespmem:s21+$0xFFFFFFD0] =	vst v1  }
0x6a: {  	v1 =	vshra.s32 v2, $0x10;
	[tilespmem:s30+$0xFFFFFFD0] =	vst v0  }
0x6b: {  	[tilespmem:s30+$0xFFFFFFE0] =	vst v1  }
0x6c: {  	[hbm4b:s6+s4] =	stream.linear.scatter [tilespmem:s16], [sflag:$0x2], $0x1000, $0x38;
	[tilespmem:$0x6180] =	vst v63  }
0x6d: {  	s31 =	simm.s32 $0x1070  }
0x6e: {  	[hbm4b:s7+s4] =	stream.linear.scatter [tilespmem:s17], [sflag:$0x2], $0x1000, $0x38;
	[tilespmem:$0x6180] =	vst v63  }
0x6f: {  	v0 =	vld [tilespmem:s31+$0xFFFFFF90]  }
0x70: {  	v1 =	vld [tilespmem:s31+$0x0]  }
0x71: {  	v2 =	vld [tilespmem:s31+$0xFFFFFFF0]  }
0x72: {  	v3 =	vld [tilespmem:s31+$0xFFFFFFE0]  }
0x73: {  	v4 =	vld [tilespmem:s31+$0xFFFFFFD0]  }
0x74: {  	v6 =	vld [tilespmem:s31+$0xFFFFFFB0]  }
0x75: {  	v5 =	vld [tilespmem:s31+$0xFFFFFFC0]  }
0x76: {  	v7 =	vld [tilespmem:s31+$0xFFFFFFA0]  }
0x77: {  	v0 =	vld.idx.msk [tilespmem:v0+s15+$0x0], $0xffff  }
0x78: {  	v1 =	vld.idx.msk [tilespmem:v1+s15+$0x0], $0xffff  }
0x79: {  	v2 =	vld.idx.msk [tilespmem:v2+s15+$0x0], $0xffff  }
0x7a: {  	v3 =	vld.idx.msk [tilespmem:v3+s15+$0x0], $0xffff  }
0x7b: {  	v4 =	vld.idx.msk [tilespmem:v4+s15+$0x0], $0xffff  }
0x7c: {  	v13 =	vld.idx.msk [tilespmem:v6+s15+$0x0], $0xffff  }
0x7d: {  	s21 =	simm.s32 $0x3070;
	v5 =	vld.idx.msk [tilespmem:v5+s15+$0x0], $0xffff;
	v8 =	vshra.s32 v0, $0x10  }
0x7e: {  	s22 =	simm.s32 $0x10F0;
	v7 =	vld.idx.msk [tilespmem:v7+s15+$0x0], $0xffff;
	v0 =	vshll.u32 v0, $0x10;
	v6 =	vshra.s32 v1, $0x10;
	[tilespmem:s21+$0xFFFFFF90] =	vst v8  }
0x7f: {  	v9 =	vshll.u32 v1, $0x10;
	v10 =	vshra.s32 v2, $0x10;
	v8 =	vshra.s32 v0, $0x10;
	v0 =	vld [tilespmem:s22+$0xFFFFFF90];
	[tilespmem:s21+$0x0] =	vst v6  }
0x80: {  	v12 =	vshll.u32 v2, $0x10;
	v1 =	vld [tilespmem:s22+$0x0];
	v14 =	vshra.s32 v3, $0x10;
	v3 =	vshll.u32 v3, $0x10;
	[tilespmem:s21+$0xFFFFFFF0] =	vst v10  }
0x81: {  	v2 =	vld [tilespmem:s22+$0xFFFFFFF0];
	v15 =	vshra.s32 v4, $0x10;
	v4 =	vshll.u32 v4, $0x10;
	v17 =	vshll.u32 v13, $0x10;
	[tilespmem:s21+$0xFFFFFFE0] =	vst v14  }
0x82: {  	s23 =	simm.s32 $0x5070;
	v13 =	vshra.s32 v13, $0x10;
	v6 =	vshra.s32 v9, $0x10;
	v16 =	vshra.s32 v3, $0x10;
	v3 =	vld [tilespmem:s22+$0xFFFFFFE0];
	[tilespmem:s21+$0xFFFFFFD0] =	vst v15  }
0x83: {  	v11 =	vshra.s32 v4, $0x10;
	v14 =	vshra.s32 v12, $0x10;
	v10 =	vshra.s32 v7, $0x10;
	[tilespmem:s23+$0x0] =	vst v6;
	v6 =	vld [tilespmem:s22+$0xFFFFFFD0]  }
0x84: {  	v4 =	vld [tilespmem:s22+$0xFFFFFFC0];
	v12 =	vshll.u32 v7, $0x10;
	[tilespmem:s23+$0xFFFFFF90] =	vst v8;
	v8 =	vshra.s32 v5, $0x10;
	v5 =	vshll.u32 v5, $0x10  }
0x85: {  	s26 =	simm.s32 $0x1080;
	s24 =	simm.s32 $0x5070;
	s25 =	simm.s32 $0x3070;
	v7 =	vshra.s32 v17, $0x10;
	[tilespmem:s23+$0xFFFFFFE0] =	vst v16;
	v12 =	vshra.s32 v12, $0x10;
	v9 =	vshra.s32 v5, $0x10;
	v5 =	vld [tilespmem:s22+$0xFFFFFFB0]  }
.LBB2_4:
0x86: {  	s26 =	sadd.s32 $0x80, s26;
	v15 =	vld [tilespmem:s22+$0xFFFFFFA0];
	[tilespmem:s23+$0xFFFFFFF0] =	vst v14;
	s21 =	sadd.s32 $0x80, s21;
	s24 =	sadd.s32 $0x80, s24  }
0x87: {  	p0 =	slt.u32 s26, $0x1F80;
	v0 =	vld.idx.msk [tilespmem:v0+s15+$0x0], $0xffff;
	[tilespmem:s23+$0xFFFFFFD0] =	vst v11  }
0x88: {  	v1 =	vld.idx.msk [tilespmem:v1+s15+$0x0], $0xffff;
	[tilespmem:s25+$0xFFFFFFC0] =	vst v8  }
0x89: {  	v2 =	vld.idx.msk [tilespmem:v2+s15+$0x0], $0xffff;
	[tilespmem:s23+$0xFFFFFFC0] =	vst v9  }
0x8a: {  	v3 =	vld.idx.msk [tilespmem:v3+s15+$0x0], $0xffff;
	[tilespmem:s25+$0xFFFFFFB0] =	vst v13  }
0x8b: {  	v6 =	vld.idx.msk [tilespmem:v6+s15+$0x0], $0xffff;
	[tilespmem:s25+$0xFFFFFFA0] =	vst v10;
	s25 =	smov.u32 s21  }
0x8c: {  	v4 =	vld.idx.msk [tilespmem:v4+s15+$0x0], $0xffff;
	[tilespmem:s23+$0xFFFFFFA0] =	vst v12  }
0x8d: {  	v8 =	vshra.s32 v0, $0x10;
	v0 =	vshll.u32 v0, $0x10;
	v13 =	vld.idx.msk [tilespmem:v5+s15+$0x0], $0xffff;
	[tilespmem:s23+$0xFFFFFFB0] =	vst v7;
	s23 =	smov.u32 s24  }
0x8e: {  	s22 =	sadd.s32 $0x80, s22;
	v5 =	vshra.s32 v0, $0x10;
	v9 =	vshll.u32 v1, $0x10;
	[tilespmem:s21+$0xFFFFFF90] =	vst v8;
	v7 =	vld.idx.msk [tilespmem:v15+s15+$0x0], $0xffff;
	v8 =	vshra.s32 v1, $0x10  }
0x8f: {  	v10 =	vshra.s32 v2, $0x10;
	v12 =	vshll.u32 v2, $0x10;
	v0 =	vld [tilespmem:s22+$0xFFFFFF90];
	[tilespmem:s21+$0x0] =	vst v8  }
0x90: {  	v14 =	vshra.s32 v3, $0x10;
	v3 =	vshll.u32 v3, $0x10;
	v8 =	vshra.s32 v9, $0x10;
	v1 =	vld [tilespmem:s22+$0x0];
	[tilespmem:s21+$0xFFFFFFF0] =	vst v10  }
.Ltmp1:
0x91: {  	v15 =	vshra.s32 v6, $0x10;
	v6 =	vshll.u32 v6, $0x10;
	v16 =	vshra.s32 v3, $0x10;
	v2 =	vld [tilespmem:s22+$0xFFFFFFF0];
	[tilespmem:s24+$0x0] =	vst v8;
	(pc) =	sbr.rel @p0 .LBB2_4-.Ltmp1, $4  }
0x92: {  	v8 =	vshra.s32 v4, $0x10;
	v4 =	vshll.u32 v4, $0x10;
	v11 =	vshra.s32 v6, $0x10;
	v3 =	vld [tilespmem:s22+$0xFFFFFFE0];
	[tilespmem:s24+$0xFFFFFF90] =	vst v5  }
0x93: {  	v5 =	vshll.u32 v13, $0x10;
	v9 =	vshra.s32 v4, $0x10;
	v6 =	vld [tilespmem:s22+$0xFFFFFFD0];
	[tilespmem:s21+$0xFFFFFFE0] =	vst v14;
	v14 =	vshra.s32 v12, $0x10  }
0x94: {  	v10 =	vshra.s32 v7, $0x10;
	v12 =	vshll.u32 v7, $0x10;
	v7 =	vshra.s32 v5, $0x10;
	v4 =	vld [tilespmem:s22+$0xFFFFFFC0];
	[tilespmem:s24+$0xFFFFFFE0] =	vst v16  }
0x95: {  	v13 =	vshra.s32 v13, $0x10;
	v12 =	vshra.s32 v12, $0x10;
	v5 =	vld [tilespmem:s22+$0xFFFFFFB0];
	[tilespmem:s21+$0xFFFFFFD0] =	vst v15  }
0x96: {  	_ =	sdelay $0x1  }
0x97: {  	[tilespmem:s23+$0xFFFFFFF0] =	vst v14  }
0x98: {  	[tilespmem:s23+$0xFFFFFFD0] =	vst v11  }
0x99: {  	v0 =	vld.idx.msk [tilespmem:v0+s15+$0x0], $0xffff;
	[tilespmem:s25+$0xFFFFFFC0] =	vst v8  }
0x9a: {  	v1 =	vld.idx.msk [tilespmem:v1+s15+$0x0], $0xffff;
	[tilespmem:s25+$0xFFFFFFB0] =	vst v13  }
0x9b: {  	v2 =	vld.idx.msk [tilespmem:v2+s15+$0x0], $0xffff;
	[tilespmem:s25+$0xFFFFFFA0] =	vst v10  }
0x9c: {  	[tilespmem:s23+$0xFFFFFFC0] =	vst v9  }
0x9d: {  	[tilespmem:s23+$0xFFFFFFA0] =	vst v12  }
0x9e: {  	s21 =	sadd.s32 $0x80, s21;
	v3 =	vld.idx.msk [tilespmem:v3+s15+$0x0], $0xffff;
	[tilespmem:s23+$0xFFFFFFB0] =	vst v7;
	v48 =	vshra.s32 v0, $0x10  }
0x9f: {  	v47 =	vld [tilespmem:s22+$0xFFFFFFA0];
	v49 =	vshra.s32 v1, $0x10;
	[tilespmem:s21+$0xFFFFFF90] =	vst v48  }
0xa0: {  	v1 =	vshll.u32 v1, $0x10;
	v50 =	vshra.s32 v2, $0x10;
	[tilespmem:s21+$0x0] =	vst v49  }
0xa1: {  	s31 =	sadd.s32 $0x80, s24;
	v6 =	vld.idx.msk [tilespmem:v6+s15+$0x0], $0xffff;
	v0 =	vshll.u32 v0, $0x10;
	[tilespmem:s21+$0xFFFFFFF0] =	vst v50;
	v1 =	vshra.s32 v1, $0x10  }
0xa2: {  	v0 =	vshra.s32 v0, $0x10;
	[tilespmem:s31+$0x0] =	vst v1  }
0xa3: {  	v51 =	vld.idx.msk [tilespmem:v4+s15+$0x0], $0xffff;
	v2 =	vshll.u32 v2, $0x10;
	v52 =	vshra.s32 v3, $0x10;
	[tilespmem:s31+$0xFFFFFF90] =	vst v0  }
0xa4: {  	v3 =	vshll.u32 v3, $0x10;
	v2 =	vshra.s32 v2, $0x10;
	[tilespmem:s21+$0xFFFFFFE0] =	vst v52  }
0xa5: {  	v54 =	vld.idx.msk [tilespmem:v5+s15+$0x0], $0xffff;
	v53 =	vshra.s32 v3, $0x10;
	[tilespmem:s31+$0xFFFFFFF0] =	vst v2  }
0xa6: {  	v55 =	vshra.s32 v6, $0x10;
	v57 =	vshll.u32 v6, $0x10;
	[tilespmem:s31+$0xFFFFFFE0] =	vst v53  }
0xa7: {  	v56 =	vld.idx.msk [tilespmem:v47+s15+$0x0], $0xffff;
	[tilespmem:s21+$0xFFFFFFD0] =	vst v55;
	v58 =	vshra.s32 v57, $0x10  }
0xa8: {  	v59 =	vshra.s32 v51, $0x10;
	v1 =	vshll.u32 v51, $0x10;
	[tilespmem:s31+$0xFFFFFFD0] =	vst v58  }
0xa9: {  	v1 =	vshra.s32 v1, $0x10;
	[tilespmem:s21+$0xFFFFFFC0] =	vst v59  }
0xaa: {  	v60 =	vshra.s32 v54, $0x10;
	v62 =	vshll.u32 v54, $0x10;
	[tilespmem:s31+$0xFFFFFFC0] =	vst v1  }
0xab: {  	[tilespmem:s21+$0xFFFFFFB0] =	vst v60;
	v63 =	vshra.s32 v62, $0x10  }
0xac: {  	[tilespmem:s31+$0xFFFFFFB0] =	vst v63;
	v61 =	vshra.s32 v56, $0x10;
	v0 =	vshll.u32 v56, $0x10  }
0xad: {  	v0 =	vshra.s32 v0, $0x10;
	[tilespmem:s21+$0xFFFFFFA0] =	vst v61  }
0xae: {  	[tilespmem:s31+$0xFFFFFFA0] =	vst v0  }
0xaf: {  	[hbm4b:s8+s4] =	stream.linear.scatter [tilespmem:s18], [sflag:$0x2], $0x1000, $0x38;
	[tilespmem:$0x6180] =	vst v63  }
0xb0: {  	_ = 	snop  }
0xb1: {  	[hbm4b:s9+s4] =	stream.linear.scatter [tilespmem:s19], [sflag:$0x2], $0x1000, $0x38;
	[tilespmem:$0x6180] =	vst v63  }
0xb2: {  	_ =	swait.ge [sflag:s13], $0x1000  }
0xb3: {  	[sflag:s13] =	ssyncset.done $0x0  }
0xb4: {  	[sflag:s13] =	ssyncadd.s32 $0xFFFFF000  }
0xb5: {  	_ =	swait.ge [sflag:s13], $0x1000  }
0xb6: {  	[sflag:s13] =	ssyncset.done $0x0  }
0xb7: {  	s20 =	sadd.s32 $0x1, s20;
	[sflag:s13] =	ssyncadd.s32 $0xFFFFF000  }
0xb8: {  	p0 =	sne.s32 s20, s10;
	_ =	swait.ge [sflag:s13], $0x1000  }
.Ltmp2:
0xb9: {  	[sflag:s13] =	ssyncset.done $0x0;
	(pc) =	sbr.rel @p0 .LBB2_1-.Ltmp2, $4  }
0xba: {  	[sflag:s13] =	ssyncadd.s32 $0xFFFFF000  }
0xbb: {  	_ =	swait.ge [sflag:s13], $0x1000  }
0xbc: {  	[sflag:s13] =	ssyncset.done $0x0  }
0xbd: {  	[sflag:s13] =	ssyncadd.s32 $0xFFFFF000  }
0xbe: {  	_ =	sfence.sel $0x180000  }
0xbf: {  	[bflag:$0x0] =	sbarrier.arrive $0xFFFF  }
0xc0: {  	p0 =	sne.s32 s3, $0x0;
	_ =	strace $0x90000047  }
0xc1: {  	s0 =	sadd.s32 @!p0 $0x100000, s0;
	[bflag:$0x2] =	sbarrier.arrive $0xFFFF  }
0xc2: {  	[sflag:s0] =	ssyncadd.tile.s32 @!p0 $0x1;
	_ =	shalt  }
.Lfunc_end2:
_tile_overlayer_lowered:
.L_overlay_start_2:
0xc3: {  	(tag) =	ssettag $0x2  }
0xc4: {  	s0 =	rddreg [dreg:$0x0];
	s2 =	stileid.u32  }
0xc5: {  	s1 =	rddreg [dreg:$0x1];
	p0 =	sne.s32 s2, $0x0  }
0xc6: {  	s3 =	rddreg [dreg:$0x2];
	[bflag:$0x3] =	sbarrier.arrive $0xFFFF;
	s2 =	simm.s32 @!p0 $0x1C03  }
0xc7: {  	[timem:s3], [sflag:s2] =	dma.local @!p0 [hbm:s0], s1  }
0xc8: {  	s0 =	simm.s32 @!p0 $0x3  }
0xc9: {  	_ =	swait.ge @!p0 [sflag:s0], s1  }
0xca: {  	s1 =	ssub.s32 @!p0 $0x0, s1;
	[sflag:s0] =	ssyncset.done @!p0 $0x0  }
0xcb: {  	[sflag:s0] =	ssyncadd.s32 @!p0 s1  }
0xcc: {  	[bflag:$0x3] =	sbarrier.arrive $0xFFFF  }
0xcd: {  	_ =	shalt  }

</sc_bundles>
